<compile_context>
chip_gen: v7x
topology: tpu7x:2x2x1
jax: 0.10.2.dev20260603
libtpu: 0.0.44.dev20260713+nightly
codegen_flags: <defaults>
</compile_context>

<pallas_src>
import functools
import jax
import jax.numpy as jnp
from jax import lax
from jax.experimental import pallas as pl
from jax.experimental.pallas import tpu as pltpu, tpu_sc as plsc

BATCH = 4096
FIELDS = 26
NVAL = 1000
NC = 2
NS = 16
NW = NC * NS
BROWS_W = BATCH // NW
NGRP = (FIELDS + 15) // 16


def _sc_body(idx_hbm, out_hbm, idx_v, buf0, buf1, sems):
    wid = lax.axis_index("s") * NC + lax.axis_index("c")
    b0 = wid * BROWS_W

    pltpu.sync_copy(idx_hbm.at[pl.ds(b0 * FIELDS, BROWS_W * FIELDS)], idx_v)

    bufs = (buf0, buf1)
    zeros16 = jnp.zeros((16,), jnp.float32)
    ones16 = jnp.full((16,), 1.0, jnp.float32)
    lanes = lax.iota(jnp.int32, 16)

    def zero_grp(j, carry):
        f = j // (NVAL // 16 + 1)
        g = j - f * (NVAL // 16 + 1)
        off = jnp.minimum(g * 16, NVAL - 16)
        for b in range(2):
            bufs[b][f, pl.ds(off, 16)] = zeros16
        return carry

    lax.fori_loop(0, FIELDS * (NVAL // 16 + 1), zero_grp, 0)

    def paint(ri, b, val16):
        for g in range(NGRP):
            lane = lanes + g * 16
            mask = lane < FIELDS
            f = jnp.minimum(lane, FIELDS - 1)
            col = plsc.load_gather(idx_v, [ri * FIELDS + f], mask=mask)
            plsc.store_scatter(bufs[b], [f, col], val16, mask=mask)

    def pair(i, carry):
        for b in range(2):
            ri = i * 2 + b

            @pl.when(i > 0)
            def _wait_and_reset():
                pltpu.make_async_copy(
                    bufs[b],
                    out_hbm.at[b0 + ri - 2],
                    sems.at[b],
                ).wait()
                paint(ri - 2, b, zeros16)

            paint(ri, b, ones16)
            pltpu.make_async_copy(
                bufs[b],
                out_hbm.at[b0 + ri],
                sems.at[b],
            ).start()
        return carry

    lax.fori_loop(0, BROWS_W // 2, pair, 0)

    for b in range(2):
        ri = BROWS_W - 2 + b
        pltpu.make_async_copy(
            bufs[b],
            out_hbm.at[b0 + ri],
            sems.at[b],
        ).wait()


_sc_one_hot = functools.partial(
    pl.kernel,
    out_type=jax.ShapeDtypeStruct((BATCH, FIELDS, NVAL), jnp.float32),
    mesh=plsc.VectorSubcoreMesh(core_axis_name="c", subcore_axis_name="s"),
    compiler_params=pltpu.CompilerParams(needs_layout_passes=False),
    scratch_types=[
        pltpu.VMEM((BROWS_W * FIELDS,), jnp.int32),
        pltpu.VMEM((FIELDS, NVAL), jnp.float32),
        pltpu.VMEM((FIELDS, NVAL), jnp.float32),
        pltpu.SemaphoreType.DMA((2,)),
    ],
)(_sc_body)


def kernel(input, eye):
    idx = input.astype(jnp.int32).reshape(BATCH * FIELDS)
    return _sc_one_hot(idx)

# --- scband reference (transcript-rebuilt; emitter-appended) ---
"""Pipeline reference for scband-one-hot-11699490914577 (READ-ONLY COPY).

The authoritative reference and input builder live on the scoring server;
editing this copy changes nothing except your own understanding.
"""

import jax, jax.numpy as jnp
import numpy as np

N_VALUES = 1000
BATCH = 4096
FIELDS = 26

def setup_inputs(seed: int = 0) -> dict:
    key = jax.random.key(seed)
    k1, _ = jax.random.split(key)
    indices = jax.random.randint(k1, (BATCH, FIELDS), 0, N_VALUES, dtype=jnp.int64 if jax.config.jax_enable_x64 else jnp.int32)
    eye = jnp.eye(N_VALUES, dtype=jnp.float32)
    return {"input": indices, "eye": eye}

def reference(input, eye):
    # OneHot.forward: self.eye[input] -> gather rows of identity matrix
    return jnp.take(eye, input, axis=0)

if __name__ == "__main__":
    import jax
    _d = setup_inputs()
    print(jax.jit(kernel)(*tuple(_d.values())))

</pallas_src>

<mosaic_0001>
#map = affine_map<(d0, d1) -> (0)>
#map1 = affine_map<(d0, d1) -> (0, 0, 0)>
module attributes {stable_mosaic.version = 14 : i64} {
  func.func @_sc_body(%arg0: i32, %arg1: i32, %arg2: memref<106496xi32, #tpu.memory_space<hbm>>, %arg3: memref<4096x26x1000xf32, #tpu.memory_space<hbm>>, %arg4: memref<3328xi32, #tpu.memory_space<vmem>>, %arg5: memref<26x1000xf32, #tpu.memory_space<vmem>>, %arg6: memref<26x1000xf32, #tpu.memory_space<vmem>>, %arg7: memref<2x!tpu.dma_semaphore, #tpu.memory_space<semaphore_mem>>) attributes {dimension_semantics = [#tpu.dimension_semantics<core_parallel>, #tpu.dimension_semantics<subcore_parallel>], iteration_bounds = array<i64: 2, 16>, scalar_prefetch = 0 : i64, scratch_operands = 4 : i64, tpu.core_type = #tpu.core_type<sc_vector_subcore>, window_params = [{transform_indices = #map}, {transform_indices = #map1}]} {
    %mul3A = arith.constant 2 : i32
    %mul3A_0 = arith.muli %arg1, %mul3A : i32
    %add3A = arith.addi %mul3A_0, %arg0 : i32
    %mul3A_1 = arith.constant 128 : i32
    %mul3A_2 = arith.muli %add3A, %mul3A_1 : i32
    %mul3A_3 = arith.constant 26 : i32
    %mul3A_4 = arith.muli %mul3A_2, %mul3A_3 : i32
    "tpu.region"() ({
      %run_scoped3A = tpu.sem_alloc : memref<!tpu.dma_semaphore, #tpu.memory_space<semaphore_mem>>
      %dma_start3A = tpu.memref_slice %arg2[%mul3A_4] : memref<106496xi32, #tpu.memory_space<hbm>> -> memref<3328xi32, #tpu.memory_space<hbm>>
      %dma_start3A_44 = tpu.memref_slice %arg2[%mul3A_4] : memref<106496xi32, #tpu.memory_space<hbm>> -> memref<3328xi32, #tpu.memory_space<hbm>>
      tpu.enqueue_dma source(%dma_start3A_44 : memref<3328xi32, #tpu.memory_space<hbm>>) target(%arg4 : memref<3328xi32, #tpu.memory_space<vmem>>) target_semaphore(%run_scoped3A : memref<!tpu.dma_semaphore, #tpu.memory_space<semaphore_mem>>)
      %dma_wait3A_45 = tpu.memref_slice %arg2[%mul3A_4] : memref<106496xi32, #tpu.memory_space<hbm>> -> memref<3328xi32, #tpu.memory_space<hbm>>
      %dma_wait3A_46 = tpu.memref_slice %arg2[%mul3A_4] : memref<106496xi32, #tpu.memory_space<hbm>> -> memref<3328xi32, #tpu.memory_space<hbm>>
      tpu.wait_dma2 semaphore(%run_scoped3A : memref<!tpu.dma_semaphore, #tpu.memory_space<semaphore_mem>>) src(%dma_wait3A_46 : memref<3328xi32, #tpu.memory_space<hbm>>) dst(%arg4 : memref<3328xi32, #tpu.memory_space<vmem>>)
      tpu.yield
    }) : () -> ()
    %broadcast_in_dim3A = arith.constant 0.000000e+00 : f32
    %broadcast_in_dim3A_5 = vector.broadcast %broadcast_in_dim3A : f32 to vector<16xf32>
    %broadcast_in_dim3A_6 = arith.constant 1.000000e+00 : f32
    %broadcast_in_dim3A_7 = vector.broadcast %broadcast_in_dim3A_6 : f32 to vector<16xf32>
    %iota3A = tpu.iota {dimensions = array<i32: 0>} : vector<16xi32>
    %scan3A = arith.constant 0 : i32
    %scan3A_8 = arith.constant 0 : i32
    %scan3A_9 = arith.constant 1638 : i32
    %scan3A_10 = arith.addi %scan3A_8, %scan3A_9 : i32
    %scan3A_11 = arith.constant 1 : i32
    scf.for %scan3A_44 = %scan3A_8 to %scan3A_10 step %scan3A_11  : i32 {
      %jit3A = arith.constant 63 : i32
      %div3A = arith.divsi %scan3A_44, %jit3A : i32
      %sign3A = arith.constant 0 : i32
      %sign3A_45 = arith.cmpi sgt, %scan3A_44, %sign3A : i32
      %sign3A_46 = arith.extui %sign3A_45 : i1 to i32
      %sign3A_47 = arith.constant 0 : i32
      %sign3A_48 = arith.cmpi slt, %scan3A_44, %sign3A_47 : i32
      %sign3A_49 = arith.extui %sign3A_48 : i1 to i32
      %sign3A_50 = arith.subi %sign3A_46, %sign3A_49 : i32
      %sign3A_51 = arith.constant 0 : i32
      %sign3A_52 = arith.cmpi sgt, %jit3A, %sign3A_51 : i32
      %sign3A_53 = arith.extui %sign3A_52 : i1 to i32
      %sign3A_54 = arith.constant 0 : i32
      %sign3A_55 = arith.cmpi slt, %jit3A, %sign3A_54 : i32
      %sign3A_56 = arith.extui %sign3A_55 : i1 to i32
      %sign3A_57 = arith.subi %sign3A_53, %sign3A_56 : i32
      %ne3A = arith.cmpi ne, %sign3A_50, %sign3A_57 : i32
      %rem3A = arith.remsi %scan3A_44, %jit3A : i32
      %ne3A_58 = arith.constant 0 : i32
      %ne3A_59 = arith.cmpi ne, %rem3A, %ne3A_58 : i32
      %and3A = arith.andi %ne3A, %ne3A_59 : i1
      %sub3A = arith.constant 1 : i32
      %sub3A_60 = arith.subi %div3A, %sub3A : i32
      %select_n3A = arith.select %and3A, %sub3A_60, %div3A : i32
      %mul3A_61 = arith.constant 63 : i32
      %mul3A_62 = arith.muli %select_n3A, %mul3A_61 : i32
      %sub3A_63 = arith.subi %scan3A_44, %mul3A_62 : i32
      %mul3A_64 = arith.constant 16 : i32
      %mul3A_65 = arith.muli %sub3A_63, %mul3A_64 : i32
      %min3A = arith.constant 984 : i32
      %min3A_66 = arith.minsi %mul3A_65, %min3A : i32
      %swap3A = arith.index_cast %select_n3A : i32 to index
      %swap3A_67 = arith.index_cast %min3A_66 : i32 to index
      %swap3A_68 = tpu.vector_load %arg5[%swap3A, %swap3A_67] {strides = array<i32>} : memref<26x1000xf32, #tpu.memory_space<vmem>>, vector<16xf32>,
      tpu.vector_store %arg5[%swap3A, %swap3A_67], %broadcast_in_dim3A_5 {strides = array<i32>} : memref<26x1000xf32, #tpu.memory_space<vmem>>, vector<16xf32>,
      %swap3A_69 = arith.index_cast %select_n3A : i32 to index
      %swap3A_70 = arith.index_cast %min3A_66 : i32 to index
      %swap3A_71 = tpu.vector_load %arg6[%swap3A_69, %swap3A_70] {strides = array<i32>} : memref<26x1000xf32, #tpu.memory_space<vmem>>, vector<16xf32>,
      tpu.vector_store %arg6[%swap3A_69, %swap3A_70], %broadcast_in_dim3A_5 {strides = array<i32>} : memref<26x1000xf32, #tpu.memory_space<vmem>>, vector<16xf32>,
    }
    %scan3A_12 = arith.constant 1638 : i32
    %scan3A_13 = arith.constant 0 : i32
    %scan3A_14 = arith.constant 0 : i32
    %scan3A_15 = arith.constant 64 : i32
    %scan3A_16 = arith.addi %scan3A_14, %scan3A_15 : i32
    %scan3A_17 = arith.constant 1 : i32
    scf.for %scan3A_44 = %scan3A_14 to %scan3A_16 step %scan3A_17  : i32 {
      %mul3A_45 = arith.constant 2 : i32
      %mul3A_46 = arith.muli %scan3A_44, %mul3A_45 : i32
      %add3A_47 = arith.constant 0 : i32
      %add3A_48 = arith.addi %mul3A_46, %add3A_47 : i32
      %gt3A = arith.constant 0 : i32
      %gt3A_49 = arith.cmpi sgt, %scan3A_44, %gt3A : i32
      %convert_element_type3A = arith.extui %gt3A_49 : i1 to i32
      %cond3A = arith.constant 0 : i32
      %cond3A_50 = arith.cmpi ne, %convert_element_type3A, %cond3A : i32
      scf.if %cond3A_50 {
        %add3A_136 = arith.addi %mul3A_2, %add3A_48 : i32
        %sub3A = arith.constant 2 : i32
        %sub3A_137 = arith.subi %add3A_136, %sub3A : i32
        %dma_wait3A_138 = arith.constant 0 : i32
        %dma_wait3A_139 = arith.constant 0 : i32
        %dma_wait3A_140 = arith.constant 0 : i32
        %dma_wait3A_141 = tpu.memref_slice %arg3[%sub3A_137, %dma_wait3A_139, %dma_wait3A_140] : memref<4096x26x1000xf32, #tpu.memory_space<hbm>> -> memref<1x26x1000xf32, #tpu.memory_space<hbm>>
        %dma_wait3A_142 = tpu.memref_squeeze %dma_wait3A_141 : memref<1x26x1000xf32, #tpu.memory_space<hbm>> -> memref<26x1000xf32, #tpu.memory_space<hbm>>
        %dma_wait3A_143 = tpu.memref_slice %arg7[%dma_wait3A_138] : memref<2x!tpu.dma_semaphore, #tpu.memory_space<semaphore_mem>> -> memref<1x!tpu.dma_semaphore, #tpu.memory_space<semaphore_mem>>
        %dma_wait3A_144 = tpu.memref_squeeze %dma_wait3A_143 : memref<1x!tpu.dma_semaphore, #tpu.memory_space<semaphore_mem>> -> memref<!tpu.dma_semaphore, #tpu.memory_space<semaphore_mem>>
        %dma_wait3A_145 = arith.constant 0 : i32
        %dma_wait3A_146 = arith.constant 0 : i32
        %dma_wait3A_147 = tpu.memref_slice %arg3[%sub3A_137, %dma_wait3A_145, %dma_wait3A_146] : memref<4096x26x1000xf32, #tpu.memory_space<hbm>> -> memref<1x26x1000xf32, #tpu.memory_space<hbm>>
        %dma_wait3A_148 = tpu.memref_squeeze %dma_wait3A_147 : memref<1x26x1000xf32, #tpu.memory_space<hbm>> -> memref<26x1000xf32, #tpu.memory_space<hbm>>
        tpu.wait_dma2 semaphore(%dma_wait3A_144 : memref<!tpu.dma_semaphore, #tpu.memory_space<semaphore_mem>>) src(%arg5 : memref<26x1000xf32, #tpu.memory_space<vmem>>) dst(%dma_wait3A_148 : memref<26x1000xf32, #tpu.memory_space<hbm>>)
        %sub3A_149 = arith.constant 2 : i32
        %sub3A_150 = arith.subi %add3A_48, %sub3A_149 : i32
        %add3A_151 = arith.constant 0 : i32
        %add3A_152 = vector.broadcast %add3A_151 : i32 to vector<16xi32>
        %add3A_153 = arith.addi %iota3A, %add3A_152 : vector<16xi32>
        %lt3A_154 = arith.constant 26 : i32
        %lt3A_155 = vector.broadcast %lt3A_154 : i32 to vector<16xi32>
        %lt3A_156 = arith.cmpi slt, %add3A_153, %lt3A_155 : vector<16xi32>
        %min3A_157 = arith.constant 25 : i32
        %min3A_158 = vector.broadcast %min3A_157 : i32 to vector<16xi32>
        %min3A_159 = arith.minsi %add3A_153, %min3A_158 : vector<16xi32>
        %mul3A_160 = arith.constant 26 : i32
        %mul3A_161 = arith.muli %sub3A_150, %mul3A_160 : i32
        %add3A_162 = vector.broadcast %mul3A_161 : i32 to vector<16xi32>
        %add3A_163 = arith.addi %add3A_162, %min3A_159 : vector<16xi32>
        %gather3A_164 = tpu.vector_load_idx %arg4[%add3A_163] masked %lt3A_156 : memref<3328xi32, #tpu.memory_space<vmem>>[vector<16xi32>], vector<16xi32>, vector<16xi1>
        tpu.vector_store_idx %arg5[%min3A_159, %gather3A_164], %broadcast_in_dim3A_5 masked %lt3A_156 : memref<26x1000xf32, #tpu.memory_space<vmem>>[vector<16xi32>, vector<16xi32>], vector<16xf32>, vector<16xi1>
        %add3A_165 = arith.constant 16 : i32
        %add3A_166 = vector.broadcast %add3A_165 : i32 to vector<16xi32>
        %add3A_167 = arith.addi %iota3A, %add3A_166 : vector<16xi32>
        %lt3A_168 = arith.constant 26 : i32
        %lt3A_169 = vector.broadcast %lt3A_168 : i32 to vector<16xi32>
        %lt3A_170 = arith.cmpi slt, %add3A_167, %lt3A_169 : vector<16xi32>
        %min3A_171 = arith.constant 25 : i32
        %min3A_172 = vector.broadcast %min3A_171 : i32 to vector<16xi32>
        %min3A_173 = arith.minsi %add3A_167, %min3A_172 : vector<16xi32>
        %mul3A_174 = arith.constant 26 : i32
        %mul3A_175 = arith.muli %sub3A_150, %mul3A_174 : i32
        %add3A_176 = vector.broadcast %mul3A_175 : i32 to vector<16xi32>
        %add3A_177 = arith.addi %add3A_176, %min3A_173 : vector<16xi32>
        %gather3A_178 = tpu.vector_load_idx %arg4[%add3A_177] masked %lt3A_170 : memref<3328xi32, #tpu.memory_space<vmem>>[vector<16xi32>], vector<16xi32>, vector<16xi1>
        tpu.vector_store_idx %arg5[%min3A_173, %gather3A_178], %broadcast_in_dim3A_5 masked %lt3A_170 : memref<26x1000xf32, #tpu.memory_space<vmem>>[vector<16xi32>, vector<16xi32>], vector<16xf32>, vector<16xi1>
      } else {
      }
      %add3A_51 = arith.constant 0 : i32
      %add3A_52 = vector.broadcast %add3A_51 : i32 to vector<16xi32>
      %add3A_53 = arith.addi %iota3A, %add3A_52 : vector<16xi32>
      %lt3A = arith.constant 26 : i32
      %lt3A_54 = vector.broadcast %lt3A : i32 to vector<16xi32>
      %lt3A_55 = arith.cmpi slt, %add3A_53, %lt3A_54 : vector<16xi32>
      %min3A = arith.constant 25 : i32
      %min3A_56 = vector.broadcast %min3A : i32 to vector<16xi32>
      %min3A_57 = arith.minsi %add3A_53, %min3A_56 : vector<16xi32>
      %mul3A_58 = arith.constant 26 : i32
      %mul3A_59 = arith.muli %add3A_48, %mul3A_58 : i32
      %add3A_60 = vector.broadcast %mul3A_59 : i32 to vector<16xi32>
      %add3A_61 = arith.addi %add3A_60, %min3A_57 : vector<16xi32>
      %gather3A = tpu.vector_load_idx %arg4[%add3A_61] masked %lt3A_55 : memref<3328xi32, #tpu.memory_space<vmem>>[vector<16xi32>], vector<16xi32>, vector<16xi1>
      tpu.vector_store_idx %arg5[%min3A_57, %gather3A], %broadcast_in_dim3A_7 masked %lt3A_55 : memref<26x1000xf32, #tpu.memory_space<vmem>>[vector<16xi32>, vector<16xi32>], vector<16xf32>, vector<16xi1>
      %add3A_62 = arith.constant 16 : i32
      %add3A_63 = vector.broadcast %add3A_62 : i32 to vector<16xi32>
      %add3A_64 = arith.addi %iota3A, %add3A_63 : vector<16xi32>
      %lt3A_65 = arith.constant 26 : i32
      %lt3A_66 = vector.broadcast %lt3A_65 : i32 to vector<16xi32>
      %lt3A_67 = arith.cmpi slt, %add3A_64, %lt3A_66 : vector<16xi32>
      %min3A_68 = arith.constant 25 : i32
      %min3A_69 = vector.broadcast %min3A_68 : i32 to vector<16xi32>
      %min3A_70 = arith.minsi %add3A_64, %min3A_69 : vector<16xi32>
      %mul3A_71 = arith.constant 26 : i32
      %mul3A_72 = arith.muli %add3A_48, %mul3A_71 : i32
      %add3A_73 = vector.broadcast %mul3A_72 : i32 to vector<16xi32>
      %add3A_74 = arith.addi %add3A_73, %min3A_70 : vector<16xi32>
      %gather3A_75 = tpu.vector_load_idx %arg4[%add3A_74] masked %lt3A_67 : memref<3328xi32, #tpu.memory_space<vmem>>[vector<16xi32>], vector<16xi32>, vector<16xi1>
      tpu.vector_store_idx %arg5[%min3A_70, %gather3A_75], %broadcast_in_dim3A_7 masked %lt3A_67 : memref<26x1000xf32, #tpu.memory_space<vmem>>[vector<16xi32>, vector<16xi32>], vector<16xf32>, vector<16xi1>
      %add3A_76 = arith.addi %mul3A_2, %add3A_48 : i32
      %dma_start3A = arith.constant 0 : i32
      %dma_start3A_77 = arith.constant 0 : i32
      %dma_start3A_78 = arith.constant 0 : i32
      %dma_start3A_79 = tpu.memref_slice %arg3[%add3A_76, %dma_start3A_77, %dma_start3A_78] : memref<4096x26x1000xf32, #tpu.memory_space<hbm>> -> memref<1x26x1000xf32, #tpu.memory_space<hbm>>
      %dma_start3A_80 = tpu.memref_squeeze %dma_start3A_79 : memref<1x26x1000xf32, #tpu.memory_space<hbm>> -> memref<26x1000xf32, #tpu.memory_space<hbm>>
      %dma_start3A_81 = tpu.memref_slice %arg7[%dma_start3A] : memref<2x!tpu.dma_semaphore, #tpu.memory_space<semaphore_mem>> -> memref<1x!tpu.dma_semaphore, #tpu.memory_space<semaphore_mem>>
      %dma_start3A_82 = tpu.memref_squeeze %dma_start3A_81 : memref<1x!tpu.dma_semaphore, #tpu.memory_space<semaphore_mem>> -> memref<!tpu.dma_semaphore, #tpu.memory_space<semaphore_mem>>
      %dma_start3A_83 = arith.constant 0 : i32
      %dma_start3A_84 = arith.constant 0 : i32
      %dma_start3A_85 = tpu.memref_slice %arg3[%add3A_76, %dma_start3A_83, %dma_start3A_84] : memref<4096x26x1000xf32, #tpu.memory_space<hbm>> -> memref<1x26x1000xf32, #tpu.memory_space<hbm>>
      %dma_start3A_86 = tpu.memref_squeeze %dma_start3A_85 : memref<1x26x1000xf32, #tpu.memory_space<hbm>> -> memref<26x1000xf32, #tpu.memory_space<hbm>>
      tpu.enqueue_dma source(%arg5 : memref<26x1000xf32, #tpu.memory_space<vmem>>) target(%dma_start3A_86 : memref<26x1000xf32, #tpu.memory_space<hbm>>) target_semaphore(%dma_start3A_82 : memref<!tpu.dma_semaphore, #tpu.memory_space<semaphore_mem>>)
      %mul3A_87 = arith.constant 2 : i32
      %mul3A_88 = arith.muli %scan3A_44, %mul3A_87 : i32
      %add3A_89 = arith.constant 1 : i32
      %add3A_90 = arith.addi %mul3A_88, %add3A_89 : i32
      %gt3A_91 = arith.constant 0 : i32
      %gt3A_92 = arith.cmpi sgt, %scan3A_44, %gt3A_91 : i32
      %convert_element_type3A_93 = arith.extui %gt3A_92 : i1 to i32
      %cond3A_94 = arith.constant 0 : i32
      %cond3A_95 = arith.cmpi ne, %convert_element_type3A_93, %cond3A_94 : i32
      scf.if %cond3A_95 {
        %add3A_136 = arith.addi %mul3A_2, %add3A_90 : i32
        %sub3A = arith.constant 2 : i32
        %sub3A_137 = arith.subi %add3A_136, %sub3A : i32
        %dma_wait3A_138 = arith.constant 1 : i32
        %dma_wait3A_139 = arith.constant 0 : i32
        %dma_wait3A_140 = arith.constant 0 : i32
        %dma_wait3A_141 = tpu.memref_slice %arg3[%sub3A_137, %dma_wait3A_139, %dma_wait3A_140] : memref<4096x26x1000xf32, #tpu.memory_space<hbm>> -> memref<1x26x1000xf32, #tpu.memory_space<hbm>>
        %dma_wait3A_142 = tpu.memref_squeeze %dma_wait3A_141 : memref<1x26x1000xf32, #tpu.memory_space<hbm>> -> memref<26x1000xf32, #tpu.memory_space<hbm>>
        %dma_wait3A_143 = tpu.memref_slice %arg7[%dma_wait3A_138] : memref<2x!tpu.dma_semaphore, #tpu.memory_space<semaphore_mem>> -> memref<1x!tpu.dma_semaphore, #tpu.memory_space<semaphore_mem>>
        %dma_wait3A_144 = tpu.memref_squeeze %dma_wait3A_143 : memref<1x!tpu.dma_semaphore, #tpu.memory_space<semaphore_mem>> -> memref<!tpu.dma_semaphore, #tpu.memory_space<semaphore_mem>>
        %dma_wait3A_145 = arith.constant 0 : i32
        %dma_wait3A_146 = arith.constant 0 : i32
        %dma_wait3A_147 = tpu.memref_slice %arg3[%sub3A_137, %dma_wait3A_145, %dma_wait3A_146] : memref<4096x26x1000xf32, #tpu.memory_space<hbm>> -> memref<1x26x1000xf32, #tpu.memory_space<hbm>>
        %dma_wait3A_148 = tpu.memref_squeeze %dma_wait3A_147 : memref<1x26x1000xf32, #tpu.memory_space<hbm>> -> memref<26x1000xf32, #tpu.memory_space<hbm>>
        tpu.wait_dma2 semaphore(%dma_wait3A_144 : memref<!tpu.dma_semaphore, #tpu.memory_space<semaphore_mem>>) src(%arg6 : memref<26x1000xf32, #tpu.memory_space<vmem>>) dst(%dma_wait3A_148 : memref<26x1000xf32, #tpu.memory_space<hbm>>)
        %sub3A_149 = arith.constant 2 : i32
        %sub3A_150 = arith.subi %add3A_90, %sub3A_149 : i32
        %add3A_151 = arith.constant 0 : i32
        %add3A_152 = vector.broadcast %add3A_151 : i32 to vector<16xi32>
        %add3A_153 = arith.addi %iota3A, %add3A_152 : vector<16xi32>
        %lt3A_154 = arith.constant 26 : i32
        %lt3A_155 = vector.broadcast %lt3A_154 : i32 to vector<16xi32>
        %lt3A_156 = arith.cmpi slt, %add3A_153, %lt3A_155 : vector<16xi32>
        %min3A_157 = arith.constant 25 : i32
        %min3A_158 = vector.broadcast %min3A_157 : i32 to vector<16xi32>
        %min3A_159 = arith.minsi %add3A_153, %min3A_158 : vector<16xi32>
        %mul3A_160 = arith.constant 26 : i32
        %mul3A_161 = arith.muli %sub3A_150, %mul3A_160 : i32
        %add3A_162 = vector.broadcast %mul3A_161 : i32 to vector<16xi32>
        %add3A_163 = arith.addi %add3A_162, %min3A_159 : vector<16xi32>
        %gather3A_164 = tpu.vector_load_idx %arg4[%add3A_163] masked %lt3A_156 : memref<3328xi32, #tpu.memory_space<vmem>>[vector<16xi32>], vector<16xi32>, vector<16xi1>
        tpu.vector_store_idx %arg6[%min3A_159, %gather3A_164], %broadcast_in_dim3A_5 masked %lt3A_156 : memref<26x1000xf32, #tpu.memory_space<vmem>>[vector<16xi32>, vector<16xi32>], vector<16xf32>, vector<16xi1>
        %add3A_165 = arith.constant 16 : i32
        %add3A_166 = vector.broadcast %add3A_165 : i32 to vector<16xi32>
        %add3A_167 = arith.addi %iota3A, %add3A_166 : vector<16xi32>
        %lt3A_168 = arith.constant 26 : i32
        %lt3A_169 = vector.broadcast %lt3A_168 : i32 to vector<16xi32>
        %lt3A_170 = arith.cmpi slt, %add3A_167, %lt3A_169 : vector<16xi32>
        %min3A_171 = arith.constant 25 : i32
        %min3A_172 = vector.broadcast %min3A_171 : i32 to vector<16xi32>
        %min3A_173 = arith.minsi %add3A_167, %min3A_172 : vector<16xi32>
        %mul3A_174 = arith.constant 26 : i32
        %mul3A_175 = arith.muli %sub3A_150, %mul3A_174 : i32
        %add3A_176 = vector.broadcast %mul3A_175 : i32 to vector<16xi32>
        %add3A_177 = arith.addi %add3A_176, %min3A_173 : vector<16xi32>
        %gather3A_178 = tpu.vector_load_idx %arg4[%add3A_177] masked %lt3A_170 : memref<3328xi32, #tpu.memory_space<vmem>>[vector<16xi32>], vector<16xi32>, vector<16xi1>
        tpu.vector_store_idx %arg6[%min3A_173, %gather3A_178], %broadcast_in_dim3A_5 masked %lt3A_170 : memref<26x1000xf32, #tpu.memory_space<vmem>>[vector<16xi32>, vector<16xi32>], vector<16xf32>, vector<16xi1>
      } else {
      }
      %add3A_96 = arith.constant 0 : i32
      %add3A_97 = vector.broadcast %add3A_96 : i32 to vector<16xi32>
      %add3A_98 = arith.addi %iota3A, %add3A_97 : vector<16xi32>
      %lt3A_99 = arith.constant 26 : i32
      %lt3A_100 = vector.broadcast %lt3A_99 : i32 to vector<16xi32>
      %lt3A_101 = arith.cmpi slt, %add3A_98, %lt3A_100 : vector<16xi32>
      %min3A_102 = arith.constant 25 : i32
      %min3A_103 = vector.broadcast %min3A_102 : i32 to vector<16xi32>
      %min3A_104 = arith.minsi %add3A_98, %min3A_103 : vector<16xi32>
      %mul3A_105 = arith.constant 26 : i32
      %mul3A_106 = arith.muli %add3A_90, %mul3A_105 : i32
      %add3A_107 = vector.broadcast %mul3A_106 : i32 to vector<16xi32>
      %add3A_108 = arith.addi %add3A_107, %min3A_104 : vector<16xi32>
      %gather3A_109 = tpu.vector_load_idx %arg4[%add3A_108] masked %lt3A_101 : memref<3328xi32, #tpu.memory_space<vmem>>[vector<16xi32>], vector<16xi32>, vector<16xi1>
      tpu.vector_store_idx %arg6[%min3A_104, %gather3A_109], %broadcast_in_dim3A_7 masked %lt3A_101 : memref<26x1000xf32, #tpu.memory_space<vmem>>[vector<16xi32>, vector<16xi32>], vector<16xf32>, vector<16xi1>
      %add3A_110 = arith.constant 16 : i32
      %add3A_111 = vector.broadcast %add3A_110 : i32 to vector<16xi32>
      %add3A_112 = arith.addi %iota3A, %add3A_111 : vector<16xi32>
      %lt3A_113 = arith.constant 26 : i32
      %lt3A_114 = vector.broadcast %lt3A_113 : i32 to vector<16xi32>
      %lt3A_115 = arith.cmpi slt, %add3A_112, %lt3A_114 : vector<16xi32>
      %min3A_116 = arith.constant 25 : i32
      %min3A_117 = vector.broadcast %min3A_116 : i32 to vector<16xi32>
      %min3A_118 = arith.minsi %add3A_112, %min3A_117 : vector<16xi32>
      %mul3A_119 = arith.constant 26 : i32
      %mul3A_120 = arith.muli %add3A_90, %mul3A_119 : i32
      %add3A_121 = vector.broadcast %mul3A_120 : i32 to vector<16xi32>
      %add3A_122 = arith.addi %add3A_121, %min3A_118 : vector<16xi32>
      %gather3A_123 = tpu.vector_load_idx %arg4[%add3A_122] masked %lt3A_115 : memref<3328xi32, #tpu.memory_space<vmem>>[vector<16xi32>], vector<16xi32>, vector<16xi1>
      tpu.vector_store_idx %arg6[%min3A_118, %gather3A_123], %broadcast_in_dim3A_7 masked %lt3A_115 : memref<26x1000xf32, #tpu.memory_space<vmem>>[vector<16xi32>, vector<16xi32>], vector<16xf32>, vector<16xi1>
      %add3A_124 = arith.addi %mul3A_2, %add3A_90 : i32
      %dma_start3A_125 = arith.constant 1 : i32
      %dma_start3A_126 = arith.constant 0 : i32
      %dma_start3A_127 = arith.constant 0 : i32
      %dma_start3A_128 = tpu.memref_slice %arg3[%add3A_124, %dma_start3A_126, %dma_start3A_127] : memref<4096x26x1000xf32, #tpu.memory_space<hbm>> -> memref<1x26x1000xf32, #tpu.memory_space<hbm>>
      %dma_start3A_129 = tpu.memref_squeeze %dma_start3A_128 : memref<1x26x1000xf32, #tpu.memory_space<hbm>> -> memref<26x1000xf32, #tpu.memory_space<hbm>>
      %dma_start3A_130 = tpu.memref_slice %arg7[%dma_start3A_125] : memref<2x!tpu.dma_semaphore, #tpu.memory_space<semaphore_mem>> -> memref<1x!tpu.dma_semaphore, #tpu.memory_space<semaphore_mem>>
      %dma_start3A_131 = tpu.memref_squeeze %dma_start3A_130 : memref<1x!tpu.dma_semaphore, #tpu.memory_space<semaphore_mem>> -> memref<!tpu.dma_semaphore, #tpu.memory_space<semaphore_mem>>
      %dma_start3A_132 = arith.constant 0 : i32
      %dma_start3A_133 = arith.constant 0 : i32
      %dma_start3A_134 = tpu.memref_slice %arg3[%add3A_124, %dma_start3A_132, %dma_start3A_133] : memref<4096x26x1000xf32, #tpu.memory_space<hbm>> -> memref<1x26x1000xf32, #tpu.memory_space<hbm>>
      %dma_start3A_135 = tpu.memref_squeeze %dma_start3A_134 : memref<1x26x1000xf32, #tpu.memory_space<hbm>> -> memref<26x1000xf32, #tpu.memory_space<hbm>>
      tpu.enqueue_dma source(%arg6 : memref<26x1000xf32, #tpu.memory_space<vmem>>) target(%dma_start3A_135 : memref<26x1000xf32, #tpu.memory_space<hbm>>) target_semaphore(%dma_start3A_131 : memref<!tpu.dma_semaphore, #tpu.memory_space<semaphore_mem>>)
    }
    %scan3A_18 = arith.constant 64 : i32
    %add3A_19 = arith.constant 126 : i32
    %add3A_20 = arith.addi %mul3A_2, %add3A_19 : i32
    %dma_wait3A = arith.constant 0 : i32
    %dma_wait3A_21 = arith.constant 0 : i32
    %dma_wait3A_22 = arith.constant 0 : i32
    %dma_wait3A_23 = tpu.memref_slice %arg3[%add3A_20, %dma_wait3A_21, %dma_wait3A_22] : memref<4096x26x1000xf32, #tpu.memory_space<hbm>> -> memref<1x26x1000xf32, #tpu.memory_space<hbm>>
    %dma_wait3A_24 = tpu.memref_squeeze %dma_wait3A_23 : memref<1x26x1000xf32, #tpu.memory_space<hbm>> -> memref<26x1000xf32, #tpu.memory_space<hbm>>
    %dma_wait3A_25 = tpu.memref_slice %arg7[%dma_wait3A] : memref<2x!tpu.dma_semaphore, #tpu.memory_space<semaphore_mem>> -> memref<1x!tpu.dma_semaphore, #tpu.memory_space<semaphore_mem>>
    %dma_wait3A_26 = tpu.memref_squeeze %dma_wait3A_25 : memref<1x!tpu.dma_semaphore, #tpu.memory_space<semaphore_mem>> -> memref<!tpu.dma_semaphore, #tpu.memory_space<semaphore_mem>>
    %dma_wait3A_27 = arith.constant 0 : i32
    %dma_wait3A_28 = arith.constant 0 : i32
    %dma_wait3A_29 = tpu.memref_slice %arg3[%add3A_20, %dma_wait3A_27, %dma_wait3A_28] : memref<4096x26x1000xf32, #tpu.memory_space<hbm>> -> memref<1x26x1000xf32, #tpu.memory_space<hbm>>
    %dma_wait3A_30 = tpu.memref_squeeze %dma_wait3A_29 : memref<1x26x1000xf32, #tpu.memory_space<hbm>> -> memref<26x1000xf32, #tpu.memory_space<hbm>>
    tpu.wait_dma2 semaphore(%dma_wait3A_26 : memref<!tpu.dma_semaphore, #tpu.memory_space<semaphore_mem>>) src(%arg5 : memref<26x1000xf32, #tpu.memory_space<vmem>>) dst(%dma_wait3A_30 : memref<26x1000xf32, #tpu.memory_space<hbm>>)
    %add3A_31 = arith.constant 127 : i32
    %add3A_32 = arith.addi %mul3A_2, %add3A_31 : i32
    %dma_wait3A_33 = arith.constant 1 : i32
    %dma_wait3A_34 = arith.constant 0 : i32
    %dma_wait3A_35 = arith.constant 0 : i32
    %dma_wait3A_36 = tpu.memref_slice %arg3[%add3A_32, %dma_wait3A_34, %dma_wait3A_35] : memref<4096x26x1000xf32, #tpu.memory_space<hbm>> -> memref<1x26x1000xf32, #tpu.memory_space<hbm>>
    %dma_wait3A_37 = tpu.memref_squeeze %dma_wait3A_36 : memref<1x26x1000xf32, #tpu.memory_space<hbm>> -> memref<26x1000xf32, #tpu.memory_space<hbm>>
    %dma_wait3A_38 = tpu.memref_slice %arg7[%dma_wait3A_33] : memref<2x!tpu.dma_semaphore, #tpu.memory_space<semaphore_mem>> -> memref<1x!tpu.dma_semaphore, #tpu.memory_space<semaphore_mem>>
    %dma_wait3A_39 = tpu.memref_squeeze %dma_wait3A_38 : memref<1x!tpu.dma_semaphore, #tpu.memory_space<semaphore_mem>> -> memref<!tpu.dma_semaphore, #tpu.memory_space<semaphore_mem>>
    %dma_wait3A_40 = arith.constant 0 : i32
    %dma_wait3A_41 = arith.constant 0 : i32
    %dma_wait3A_42 = tpu.memref_slice %arg3[%add3A_32, %dma_wait3A_40, %dma_wait3A_41] : memref<4096x26x1000xf32, #tpu.memory_space<hbm>> -> memref<1x26x1000xf32, #tpu.memory_space<hbm>>
    %dma_wait3A_43 = tpu.memref_squeeze %dma_wait3A_42 : memref<1x26x1000xf32, #tpu.memory_space<hbm>> -> memref<26x1000xf32, #tpu.memory_space<hbm>>
    tpu.wait_dma2 semaphore(%dma_wait3A_39 : memref<!tpu.dma_semaphore, #tpu.memory_space<semaphore_mem>>) src(%arg6 : memref<26x1000xf32, #tpu.memory_space<vmem>>) dst(%dma_wait3A_43 : memref<26x1000xf32, #tpu.memory_space<hbm>>)
    return
  }
}

</mosaic_0001>

<sc_bundles>
// kernel: kernel.3.cloned.1.call-start
scs
__scs_entry_jumppad:
0x0: {  	(pc) =	sbr.rel $0x88, $3  }
0x1: {  	(tag) =	ssettag $0x0;
	lr =	simm.s32 $0x1  }
0x2: {  	[smem:$0x3FA0] =	sst lr;
	_ =	strace $0xD0000000  }
0x3: {  	_ = 	snop  }
0x4: {  	_ = 	snop  }
0x5: {  	_ = 	snop  }
0x6: {  	_ = 	snop  }
0x7: {  	_ = 	snop  }
__scs_overlays_trampoline_lowered:
0x8: {  	[smem:$0x3FAF] =	sst s0  }
0x9: {  	[smem:$0x3FB0] =	sst s1  }
0xa: {  	[smem:$0x3FB1] =	sst s2  }
0xb: {  	[smem:$0x3FB2] =	sst s3  }
0xc: {  	[smem:$0x3FB3] =	sst s4  }
0xd: {  	[smem:$0x3FB4] =	sst s5  }
0xe: {  	[smem:$0x3FB5] =	sst s6  }
0xf: {  	[smem:$0x3FB6] =	sst s7  }
0x10: {  	[smem:$0x3FB7] =	sst s8  }
0x11: {  	[smem:$0x3FB8] =	sst s9;
	s0 =	simm.s32 @!p0 $0x0  }
0x12: {  	s1 =	sld [smem:$0x3F9E];
	s0 =	simm.s32 @p0 $0x1  }
0x13: {  	[smem:$0x3FB9] =	sst s0;
	s0 =	simm.s32 @!p1 $0x0  }
0x14: {  	s2 =	sld [smem:$0x3F9D];
	s0 =	simm.s32 @p1 $0x1  }
0x15: {  	[smem:$0x3FBA] =	sst s0;
	s0 =	simm.s32 @!p2 $0x0  }
0x16: {  	s3 =	sld [smem:$0x3FDB];
	s0 =	simm.s32 @p2 $0x1  }
0x17: {  	s4 =	simm.s32 $0x1BF5;
	[smem:$0x3FBC] =	sst s0  }
0x18: {  	s0 =	sld [smem:$0x3F9F];
	_ =	swait.ge [sflag:s4], $0x0  }
0x19: {  	s7 =	sld [smem:$0x3FA0]  }
0x1a: {  	s8 =	sadd.s32 $0xFFFFE003, lr  }
0x1b: {  	s9 =	sadd.s32 $0xFFFFFEF7, lr;
	s5 =	simm.s32 $0xFFFFFFFF;
	p2 =	slt.u32 s8, $0xFFFFF086  }
0x1c: {  	p1 =	slt.u32 s9, $0xF7A;
	s5 =	simm.s32 @!p2 $0x0  }
0x1d: {  	s5 =	simm.s32 @p1 $0x1;
	p0 =	seq.s32 s7, s2  }
0x1e: {  	s7 =	smul.u32 @!p0 $0xF7A, s2;
	p2 =	seq.s32 @!p0 s5, $0x0  }
0x1f: {  	s9 =	smul.u32 $0xF7A, s1;
	s8 =	simm.s32 @!p0 $0x1BF5;
	p2 =	por !p2, p0  }
0x20: {  	[sflag:s8] =	ssyncset.s32 @!p0 $0xFFFFF086;
	s6 =	sadd.s32 @!p0 s3, s7;
	s7 =	simm.s32 @!p0 $0x108  }
0x21: {  	s3 =	sadd.s32 s3, s9;
	s6 =	sadd.s32 @!p0 $0x88, s6;
	s7 =	simm.s32 @p2 $0x1082  }
0x22: {  	[simem:s7], [sflag:s8] =	dma.local @!p0 [hbm:s6], $0xF7A  }
0x23: {  	s9 =	sor.u32 $0xD0000000, s2;
	s6 =	simm.s32 $0x108;
	_ =	swait.ge @!p0 [sflag:s8], $0x0  }
0x24: {  	s3 =	sadd.s32 $0x88, s3;
	s6 =	simm.s32 @!p1 $0x1082;
	[sflag:s4] =	ssyncset.s32 $0xFFFFF086  }
0x25: {  	[simem:s6], [sflag:s4] =	dma.local [hbm:s3], $0xF7A  }
0x26: {  	[smem:$0x3FA0] =	sst s1;
	(tag) =	ssettag s2;
	_ =	strace s9  }
0x27: {  	s1 =	sld [smem:$0x3FB0]  }
0x28: {  	s2 =	sld [smem:$0x3FB1]  }
0x29: {  	s4 =	sld [smem:$0x3FB3]  }
0x2a: {  	p0 =	seq.s32 s5, $0x0;
	s5 =	sld [smem:$0x3FB4]  }
0x2b: {  	s6 =	sld [smem:$0x3FB5]  }
0x2c: {  	s7 =	sld [smem:$0x3FB6]  }
0x2d: {  	s3 =	simm.s32 $0x108;
	s8 =	sld [smem:$0x3FB7]  }
0x2e: {  	s3 =	simm.s32 @!p0 $0x1082;
	s9 =	sld [smem:$0x3FB8]  }
0x2f: {  	lr =	sadd.s32 s0, s3;
	s0 =	sld [smem:$0x3FAF]  }
0x30: {  	s3 =	sld [smem:$0x3FB2]  }
0x31: {  	[smem:$0x3FBB] =	sst s10  }
0x32: {  	s10 =	sld [smem:$0x3FB9];
	_ =	sdelay $0x3  }
0x33: {  	p0 =	seq.s32 s10, $0x1;
	s10 =	sld [smem:$0x3FBB];
	_ =	sdelay $0x3  }
0x34: {  	[smem:$0x3FBB] =	sst s10  }
0x35: {  	s10 =	sld [smem:$0x3FBA];
	_ =	sdelay $0x3  }
0x36: {  	p1 =	seq.s32 s10, $0x1;
	s10 =	sld [smem:$0x3FBB];
	_ =	sdelay $0x3  }
0x37: {  	[smem:$0x3FBB] =	sst s10  }
0x38: {  	s10 =	sld [smem:$0x3FBC]  }
0x39: {  	_ = 	snop;
	(pc) =	sbr.ind lr, $3  }
0x3a: {  	_ = 	snop  }
0x3b: {  	_ = 	snop  }
0x3c: {  	p2 =	seq.s32 s10, $0x1;
	s10 =	sld [smem:$0x3FBB]  }
0x3d: {  	_ =	shalt  }
0x3e: {  	_ =	shalt  }
0x3f: {  	_ =	shalt  }
0x40: {  	_ =	shalt  }
0x41: {  	_ =	shalt  }
0x42: {  	_ =	shalt  }
0x43: {  	_ =	shalt  }
0x44: {  	_ =	shalt  }
0x45: {  	_ =	shalt  }
0x46: {  	_ =	shalt  }
0x47: {  	_ =	shalt  }
0x48: {  	_ =	shalt  }
0x49: {  	_ =	shalt  }
0x4a: {  	_ =	shalt  }
0x4b: {  	_ =	shalt  }
0x4c: {  	_ =	shalt  }
0x4d: {  	_ =	shalt  }
0x4e: {  	_ =	shalt  }
0x4f: {  	_ =	shalt  }
0x50: {  	_ =	shalt  }
0x51: {  	_ =	shalt  }
0x52: {  	_ =	shalt  }
0x53: {  	_ =	shalt  }
0x54: {  	_ =	shalt  }
0x55: {  	_ =	shalt  }
0x56: {  	_ =	shalt  }
0x57: {  	_ =	shalt  }
0x58: {  	_ =	shalt  }
0x59: {  	_ =	shalt  }
0x5a: {  	_ =	shalt  }
0x5b: {  	_ =	shalt  }
0x5c: {  	_ =	shalt  }
0x5d: {  	_ =	shalt  }
0x5e: {  	_ =	shalt  }
0x5f: {  	_ =	shalt  }
0x60: {  	_ =	shalt  }
0x61: {  	_ =	shalt  }
0x62: {  	_ =	shalt  }
0x63: {  	_ =	shalt  }
0x64: {  	_ =	shalt  }
0x65: {  	_ =	shalt  }
0x66: {  	_ =	shalt  }
0x67: {  	_ =	shalt  }
0x68: {  	_ =	shalt  }
0x69: {  	_ =	shalt  }
0x6a: {  	_ =	shalt  }
0x6b: {  	_ =	shalt  }
0x6c: {  	_ =	shalt  }
0x6d: {  	_ =	shalt  }
0x6e: {  	_ =	shalt  }
0x6f: {  	_ =	shalt  }
0x70: {  	_ =	shalt  }
0x71: {  	_ =	shalt  }
0x72: {  	_ =	shalt  }
0x73: {  	_ =	shalt  }
0x74: {  	_ =	shalt  }
0x75: {  	_ =	shalt  }
0x76: {  	_ =	shalt  }
0x77: {  	_ =	shalt  }
0x78: {  	_ =	shalt  }
0x79: {  	_ =	shalt  }
0x7a: {  	_ =	shalt  }
0x7b: {  	_ =	shalt  }
0x7c: {  	_ =	shalt  }
0x7d: {  	_ =	shalt  }
0x7e: {  	_ =	shalt  }
0x7f: {  	_ =	shalt  }
0x80: {  	_ =	shalt  }
0x81: {  	_ =	shalt  }
0x82: {  	_ =	shalt  }
0x83: {  	_ =	shalt  }
0x84: {  	_ =	shalt  }
0x85: {  	_ =	shalt  }
0x86: {  	_ =	shalt  }
0x87: {  	_ =	shalt  }
.Lfunc_end0:
.L_simem_size_0:
called_computation_lowered:
.L_overlay_start_0:
0x88: {  	s2 =	sld [smem:$0x3FD9]  }
0x89: {  	s3 =	sld [smem:$0x3FFE];
	_ =	sdelay $0x1  }
0x8a: {  	s1 =	srdreg.scid  }
0x8b: {  	s0 =	sand.u32 $0x1, s1  }
0x8c: {  	s17 =	sshll.u32 s0, $0xA;
	s2 =	sadd.s32 s3, s2  }
0x8d: {  	s2 =	sadd.s32 s2, s17  }
0x8e: {  	[smem:$0x3FC7] =	sst s2  }
0x8f: {  	_ = 	snop  }
0x90: {  	s2 =	sld [smem:$0x3FD0];
	(tm) =	ssettm $0x1  }
0x91: {  	s18 =	sld [smem:$0x3FFB];
	_ =	sdelay $0x3  }
0x92: {  	_ =	strace s18  }
0x93: {  	s3 =	sld [smem:$0x3FFC];
	_ =	sdelay $0x3  }
0x94: {  	_ =	strace s3  }
0x95: {  	s3 =	sld [smem:$0x3FFD];
	_ =	sdelay $0x3  }
0x96: {  	_ =	strace s3  }
0x97: {  	_ =	strace $0x8FFFFFFF  }
0x98: {  	s19 =	sld [smem:$0x3FDB];
	_ =	sdelay $0x1  }
0x99: {  	s4 =	simm.s32 $_scs_section_size  }
0x9a: {  	s5 =	simm.s32 $_size__tile_overlayer_lowered;
	s6 =	simm.s32 $_tile_overlayer_lowered  }
0x9b: {  	s22 =	simm.s32 $0x1BFF;
	s21 =	sshll.u32 s6, $0x1;
	s3 =	sadd.s32 s4, s19  }
0x9c: {  	s7 =	simm.s32 $0x0;
	s20 =	sshll.u32 s5, $0x1;
	s5 =	sadd.s32 s21, s3  }
0x9d: {  	[timem:s7], [sflag:s22] =	dma.local [hbm:s5], s20  }
0x9e: {  	_ =	swait.ge [sflag:s22], s20  }
0x9f: {  	s4 =	ssub.s32 $0x0, s20;
	[sflag:s22] =	ssyncset.done $0x0  }
0xa0: {  	[sflag:s22] =	ssyncadd.s32 s4;
	_ =	sdelay $0x1  }
0xa1: {  	s23 =	simm.s32 $0x1B8B  }
0xa2: {  	_ =	swait.ge [sflag:s23], $0x1  }
0xa3: {  	[sflag:s23] =	ssyncset.done $0x0  }
0xa4: {  	s25 =	simm.s32 $0x1B8E;
	s24 =	sld [smem:$0x3FFE];
	[sflag:s23] =	ssyncadd.s32 $0xFFFFFFFF  }
0xa5: {  	s26 =	simm.s32 $execute0_lowered;
	[smem:$0x3FD2] =	sst s25  }
0xa6: {  	s5 =	sshll.u32 s26, $0x1;
	_ =	strace $0x80000046;
	[dreg:$0x1] =	wrdreg $0xFFFFFFFF  }
0xa7: {  	s28 =	simm.s32 $_size_execute0_lowered;
	s3 =	sadd.s32 s3, s5;
	[dreg:$0x0] =	wrdreg $0x0  }
0xa8: {  	s5 =	sshll.u32 s28, $0x1;
	[dreg:$0x2] =	wrdreg s3  }
0xa9: {  	[dreg:$0x3] =	wrdreg s5  }
0xaa: {  	[dreg:$0x4] =	wrdreg $0xC0  }
0xab: {  	_ =	task [dreg:s7], $0x5FFFF  }
0xac: {  	[dreg:$0x1] =	wrdreg $0xFFFFFFFF  }
0xad: {  	[dreg:$0x0] =	wrdreg $0x60  }
0xae: {  	[dreg:$0x2] =	wrdreg s2  }
0xaf: {  	[dreg:$0x3] =	wrdreg s24  }
0xb0: {  	[dreg:$0x4] =	wrdreg $0x9  }
0xb1: {  	_ =	task.clear_ibuf [dreg:s7], $0x5FFFF;
	_ =	strace $0x90000046  }
0xb2: {  	s29 =	simm.s32 $0x9;
	_ =	strace $0x80000048  }
0xb3: {  	_ =	swait.ge [sflag:s29], $0x1  }
0xb4: {  	[sflag:s29] =	ssyncadd.s32 $0xFFFFFFFF  }
0xb5: {  	_ =	strace $0x90000048  }
0xb6: {  	_ =	sfence  }
0xb7: {  	s30 =	sld [smem:$0x0];
	_ =	sdelay $0x2  }
0xb8: {  	s31 =	sshll.u32 s1, $0xD;
	s1 =	sshrl.u32 s1, $0x2  }
0xb9: {  	s3 =	sand.u32 $0x4000, s31;
	s1 =	sadd.s32 s1, s30  }
0xba: {  	s0 =	sor.u32 s3, s0;
	s1 =	sshll.u32 s1, $0x11  }
0xbb: {  	s0 =	sor.u32 s1, s0  }
0xbc: {  	s0 =	sadd.s32 $0x8F2B, s0  }
0xbd: {  	[sflag:s0] =	ssyncadd.remote.s32 $0x1  }
0xbe: {  	_ =	sfence.sel $0xFFFF  }
0xbf: {  	[dreg:$0x0] =	wrdreg $0xFFFFFFFF;
	(pc) =	sbr.abs _section_cstart, $3  }
0xc0: {  	[dreg:$0x1] =	wrdreg $0xFFFFFFFF  }
0xc1: {  	_ =	task.clear_ibuf [dreg:s7], $0x2FFFF;
	_ =	strace $0x9FFFFFFF  }
0xc2: {  	(tm) =	ssettm $0x7FFFFFFF  }
0xc3: {  	_ =	shalt  }
tec
execute0_lowered:
.L_overlay_start_1:
0x0: {  	(tag) =	ssettag $0x1  }
0x1: {  	v0 =	vimm.s32 $0x2380;
	vm8 =	vcmask $0x300  }
0x2: {  	vm7 =	vcmask $0x704;
	vm6 =	vcmask $0xB08;
	vm5 =	vcmask $0xF0C  }
0x3: {  	vm4 =	vcmask $0x1310;
	vm3 =	vcmask $0x1714;
	v0 =	vsel vm8, $0x0, v0  }
0x4: {  	vm2 =	vcmask $0x1B18;
	vm1 =	vcmask $0x1F1C;
	v0 =	vsel vm7, $0x80, v0  }
0x5: {  	vm0 =	vcmask $0x2320;
	vm9 =	vcmask $0x2724;
	v0 =	vsel vm6, $0x100, v0  }
0x6: {  	vm13 =	vcmask $0x2B28;
	v2 =	vimm.s32 $0x6080;
	v0 =	vsel vm5, $0x180, v0  }
0x7: {  	s3 =	rddreg [dreg:$0x0];
	vm14 =	vcmask $0x2F2C;
	v2 =	vsel vm8, $0x4000, v2;
	v0 =	vsel vm4, $0x200, v0  }
0x8: {  	s4 =	rddreg [dreg:$0x1];
	vm15 =	vcmask $0x3330;
	v2 =	vsel vm7, $0x4080, v2;
	v0 =	vsel vm3, $0x280, v0  }
0x9: {  	s0 =	rddreg [dreg:$0x2];
	s5 =	srdreg.scid;
	vm12 =	vcmask $0x3734;
	v2 =	vsel vm6, $0x4100, v2;
	v0 =	vsel vm2, $0x300, v0  }
0xa: {  	s1 =	stileid.u32;
	s2 =	simm.s32 $0x0;
	v4 =	vimm.s32 $0x13121110;
	s10 =	simm.s32 $0x1;
	v2 =	vsel vm5, $0x4180, v2;
	v0 =	vsel vm1, $0x380, v0  }
0xb: {  	v5 =	vimm.s32 $0x17161514;
	s11 =	simm.s32 $0x2;
	s12 =	simm.s32 $0x0;
	s5 =	sand.u32 $0x1, s5;
	v2 =	vsel vm4, $0x4200, v2;
	v1 =	vsel vm0, $0x2000, v0  }
0xc: {  	s6 =	sshll.u32 s1, $0x1;
	[smem:$0x7FF] =	sst s2;
	s9 =	sshll.u32 s1, $0x14;
	v4 =	vunpack.c.0.s8.s32 v4;
	v2 =	vsel vm3, $0x4280, v2;
	v1 =	vsel vm9, $0x2080, v1  }
0xd: {  	s4 =	sadd.s32 $0x400, s4;
	v5 =	vunpack.c.0.s8.s32 v5;
	s6 =	sor.u32 s5, s6;
	_ =	strace $0x80000047;
	v6 =	vsel vm2, $0x4300, v2;
	v1 =	vsel vm13, $0x2100, v1  }
0xe: {  	s7 =	ssub.s32 $0x2, s5;
	s5 =	sshll.u32 s5, $0x13;
	s31 =	sadd.s32 s9, s4;
	v0 =	vimm.f32 $0.0e+00;
	vm13 =	vcmask $0x3B38;
	v1 =	vsel vm14, $0x2180, v1  }
0xf: {  	s6 =	smul.u32 $0x1A0, s6;
	s8 =	sshrl.u32 s7, $0x1;
	s30 =	sor.u32 s5, s9;
	vm14 =	vcmask $0xF00;
	v3 =	vsel vm15, $0x2200, v1;
	v1 =	vlaneseq.u32  }
0x10: {  	s5 =	sadd.s32 s5, s31;
	s9 =	simm.s32 $0x8D00;
	s7 =	ssub.s32 s7, s8;
	v4 =	vnsel vm14, $0x19, v4;
	vm15 =	vcmask $0x1F10;
	v3 =	vsel vm12, $0x2280, v3  }
0x11: {  	s8 =	sadd.s32 s30, s4;
	s3 =	sadd.s32 s3, s6;
	s4 =	smax.u32 s7, $0x1;
	v4 =	vsel vm15, v5, v4;
	v5 =	vsel vm1, $0x4380, v6;
	v2 =	vsel vm13, $0x2300, v3  }
0x12: {  	s6 =	sadd.s32 $0x1000, s8;
	s7 =	simm.s32 $0x3;
	s8 =	simm.s32 $0xD00;
	v3 =	vimm.f32 $1.000000000e+00;
	v4 =	vsel vm0, $0x18, v4;
	v5 =	vsel vm0, $0x6000, v5  }
.LBB2_1:
0x13: {  	s13 =	smulhi.u32 $0x4104105, s2  }
0x14: {  	[tilespmem:s2], [sflag:$0x3] =	stream.linear.gather [hbm4b:s3+s2], $0xD00, $0x38;
	[tilespmem:$0x10D00] =	vst v63  }
0x15: {  	s14 =	ssub.s32 $0x0, s13  }
0x16: {  	s31 =	smul.u32 $0x411, s2;
	s14 =	sshrl.u32 s14, $0x1  }
0x17: {  	_ =	swait.ge [sflag:s7], $0xD00;
	s13 =	sadd.s32 s13, s14  }
0x18: {  	[sflag:s7] =	ssyncset.done $0x0;
	s14 =	sshrl.u32 s31, $0x10;
	s15 =	sshrl.u32 s13, $0x5  }
0x19: {  	s13 =	simm.s32 $0x1;
	s18 =	ssub.s32 $0x0, s14;
	s15 =	smul.u32 $0x3F0, s15  }
0x1a: {  	[sflag:s7] =	ssyncadd.s32 $0xFFFFF300;
	s17 =	smulhi.u32 $0x4104105, s13;
	s18 =	sand.u32 $0xFFFE, s18  }
0x1b: {  	s16 =	smul.u32 $0x411, s13;
	s20 =	sshrl.u32 s18, $0x1;
	s15 =	ssub.s32 $0x0, s15  }
0x1c: {  	s18 =	simm.s32 $0x2;
	s19 =	ssub.s32 $0x1, s17;
	p0 =	slt.s32 s15, $0x3D8  }
0x1d: {  	s20 =	sadd.s32 s14, s20;
	s14 =	simm.s32 $0x0;
	s15 =	simm.s32 @!p0 $0x3D8  }
.LBB2_2:
0x1e: {  	p0 =	sne.s32 s18, $0x665;
	s21 =	sshll.u32 s20, $0x5;
	s22 =	sshll.u32 s15, $0x3  }
0x1f: {  	s23 =	smov.u32 s13;
	s13 =	smov.u32 s18;
	s20 =	sshll.u32 s20, $0x2  }
0x20: {  	s19 =	sshrl.u32 s19, $0x1;
	s21 =	sand.u32 $0xE000, s21;
	s22 =	sand.u32 $0xFFFFFC00, s22  }
0x21: {  	s20 =	sand.u32 $0x380, s20;
	s17 =	sadd.s32 s17, s19;
	s21 =	sadd.s32 s21, s22  }
0x22: {  	s15 =	sand.u32 $0x78, s15;
	s17 =	sshrl.u32 s17, $0x5;
	s19 =	sor.u32 s20, s21  }
0x23: {  	s15 =	sor.u32 s15, s19;
	s19 =	smul.u32 $0x3F0, s17  }
.Ltmp0:
0x24: {  	s20 =	sshrl.u32 s16, $0x10;
	[tilespmem:s15+$0x8D00] =	vst v0;
	(pc) =	sbr.rel @p0 .LBB2_2-.Ltmp0, $4  }
0x25: {  	s14 =	sadd.s32 $0x10, s14;
	s17 =	smulhi.u32 $0x4104105, s18;
	s21 =	ssub.s32 s23, s20;
	[tilespmem:s15+$0xD00] =	vst v0  }
0x26: {  	s16 =	smul.u32 $0x411, s18;
	s21 =	sand.u32 $0xFFFE, s21;
	s15 =	ssub.s32 s14, s19  }
0x27: {  	s19 =	ssub.s32 s18, s17;
	s21 =	sshrl.u32 s21, $0x1;
	p1 =	slt.s32 s15, $0x3D8  }
0x28: {  	s18 =	sadd.s32 $0x1, s18;
	s20 =	sadd.s32 s20, s21;
	s15 =	simm.s32 @!p1 $0x3D8  }
0x29: {  	s18 =	sshrl.u32 s19, $0x1  }
0x2a: {  	s22 =	sshll.u32 s20, $0x5;
	s17 =	sadd.s32 s17, s18  }
0x2b: {  	s23 =	sshll.u32 s15, $0x3;
	s16 =	sshrl.u32 s16, $0x10;
	s17 =	sshrl.u32 s17, $0x5  }
0x2c: {  	s24 =	sshll.u32 s20, $0x2;
	s14 =	sadd.s32 $0x10, s14;
	s17 =	smul.u32 $0x3F0, s17  }
0x2d: {  	s26 =	sand.u32 $0x78, s15;
	s19 =	sand.u32 $0xE000, s22;
	s13 =	ssub.s32 s13, s16  }
0x2e: {  	s18 =	sand.u32 $0xFFFFFC00, s23;
	s13 =	sand.u32 $0xFFFE, s13;
	s14 =	ssub.s32 s14, s17  }
0x2f: {  	s25 =	sand.u32 $0x380, s24;
	s13 =	sshrl.u32 s13, $0x1;
	p0 =	slt.s32 s14, $0x3D8  }
0x30: {  	s18 =	sadd.s32 s19, s18;
	s13 =	sadd.s32 s16, s13;
	s14 =	simm.s32 @!p0 $0x3D8  }
0x31: {  	s28 =	sor.u32 s25, s18;
	s29 =	sshll.u32 s13, $0x5;
	s30 =	sshll.u32 s14, $0x3  }
0x32: {  	s13 =	sshll.u32 s13, $0x2;
	s17 =	sand.u32 $0xE000, s29;
	s18 =	sand.u32 $0xFFFFFC00, s30  }
0x33: {  	s15 =	sor.u32 s26, s28;
	s13 =	sand.u32 $0x380, s13;
	s31 =	sadd.s32 s17, s18  }
0x34: {  	[tilespmem:s15+$0x8D00] =	vst v0;
	s14 =	sand.u32 $0x78, s14;
	s13 =	sor.u32 s13, s31  }
0x35: {  	[tilespmem:s15+$0xD00] =	vst v0;
	s14 =	sor.u32 s14, s13  }
0x36: {  	[tilespmem:s14+$0x8D00] =	vst v0  }
0x37: {  	s15 =	smov.u32 s5;
	s13 =	simm.s32 $0x0;
	[tilespmem:s14+$0xD00] =	vst v0;
	s14 =	smov.u32 s6  }
.LBB2_4:
0x38: {  	p0 =	seq.s32 s13, $0x0;
	s16 =	simm.s32 $0x0  }
0x39: {  	s16 =	sadd.s32 @!p0 $0xFFFFFFCC, s13  }
0x3a: {  	v6 =	vadd.s32 @!p0 s16, v1;
	_ =	sdelay $0x1  }
0x3b: {  	_ =	swait.ge @!p0 [sflag:s10], $0x8000  }
0x3c: {  	[sflag:s10] =	ssyncset.done @!p0 $0x0  }
0x3d: {  	[sflag:s10] =	ssyncadd.s32 @!p0 $0xFFFF8000  }
0x3e: {  	v6 =	vld.idx.msk @!p0 [tilespmem:v6+s2+$0x0], $0xffff;
	_ =	sdelay $0x4  }
0x3f: {  	v7 =	vshll.u32 @!p0 v6, $0x3  }
0x40: {  	v6 =	vand.u32 @!p0 $0x7F, v6;
	v7 =	vand.u32 @!p0 $0xFFFFFC00, v7  }
0x41: {  	v6 =	vor.u32 @!p0 v6, v7  }
0x42: {  	v6 =	vadd.s32 @!p0 v2, v6  }
0x43: {  	v7 =	vadd.s32 @!p0 s16, v4;
	_ =	sdelay $0x3  }
0x44: {  	[tilespmem:v6+s8+$0x0] =	vst.idx.msk @!p0 $0xffff, v0  }
0x45: {  	v6 =	vld.idx.msk @!p0 [tilespmem:v7+s2+$0x0], $0x3ff;
	_ =	sdelay $0x4  }
0x46: {  	v7 =	vshll.u32 @!p0 v6, $0x3  }
0x47: {  	v6 =	vand.u32 @!p0 $0x7F, v6;
	v7 =	vand.u32 @!p0 $0xFFFFFC00, v7  }
0x48: {  	v6 =	vor.u32 @!p0 v6, v7  }
0x49: {  	v6 =	vadd.s32 @!p0 v5, v6;
	_ =	sdelay $0x3  }
0x4a: {  	s16 =	smov.u32 @!p0 s13  }
0x4b: {  	[tilespmem:v6+s8+$0x0] =	vst.idx.msk @!p0 $0x3ff, v0;
	v6 =	vadd.s32 s16, v1;
	_ =	sdelay $0x4  }
0x4c: {  	v6 =	vld.idx.msk [tilespmem:v6+s2+$0x0], $0xffff;
	_ =	sdelay $0x4  }
0x4d: {  	v7 =	vshll.u32 v6, $0x3  }
0x4e: {  	v6 =	vand.u32 $0x7F, v6;
	v7 =	vand.u32 $0xFFFFFC00, v7  }
0x4f: {  	v6 =	vor.u32 v6, v7  }
0x50: {  	v6 =	vadd.s32 v2, v6  }
0x51: {  	v7 =	vadd.s32 s16, v4;
	_ =	sdelay $0x3  }
0x52: {  	[tilespmem:v6+s8+$0x0] =	vst.idx.msk $0xffff, v3  }
0x53: {  	v6 =	vld.idx.msk [tilespmem:v7+s2+$0x0], $0x3ff;
	_ =	sdelay $0x4  }
0x54: {  	v7 =	vshll.u32 v6, $0x3  }
0x55: {  	v6 =	vand.u32 $0x7F, v6;
	v7 =	vand.u32 $0xFFFFFC00, v7  }
0x56: {  	v6 =	vor.u32 v6, v7  }
0x57: {  	v6 =	vadd.s32 v5, v6;
	_ =	sdelay $0x3  }
0x58: {  	s16 =	sadd.s32 @!p0 $0xFFFFFFE6, s16  }
0x59: {  	[tilespmem:v6+s8+$0x0] =	vst.idx.msk $0x3ff, v3;
	v6 =	vadd.s32 @!p0 s16, v1  }
0x5a: {  	[hbm4b:s15+s2] =	stream.linear.scatter [tilespmem:s8], [sflag:$0x1], $0x8000, $0x38;
	[tilespmem:$0x10D00] =	vst v63  }
0x5b: {  	_ =	swait.ge @!p0 [sflag:s11], $0x8000  }
0x5c: {  	[sflag:s11] =	ssyncset.done @!p0 $0x0  }
0x5d: {  	[sflag:s11] =	ssyncadd.s32 @!p0 $0xFFFF8000  }
0x5e: {  	v6 =	vld.idx.msk @!p0 [tilespmem:v6+s2+$0x0], $0xffff;
	_ =	sdelay $0x4  }
0x5f: {  	v7 =	vshll.u32 @!p0 v6, $0x3  }
0x60: {  	v6 =	vand.u32 @!p0 $0x7F, v6;
	v7 =	vand.u32 @!p0 $0xFFFFFC00, v7  }
0x61: {  	v6 =	vor.u32 @!p0 v6, v7  }
0x62: {  	v6 =	vadd.s32 @!p0 v2, v6  }
0x63: {  	v7 =	vadd.s32 @!p0 s16, v4;
	_ =	sdelay $0x3  }
0x64: {  	[tilespmem:v6+s9+$0x0] =	vst.idx.msk @!p0 $0xffff, v0  }
0x65: {  	v6 =	vld.idx.msk @!p0 [tilespmem:v7+s2+$0x0], $0x3ff;
	_ =	sdelay $0x4  }
0x66: {  	v7 =	vshll.u32 @!p0 v6, $0x3  }
0x67: {  	v6 =	vand.u32 @!p0 $0x7F, v6;
	v7 =	vand.u32 @!p0 $0xFFFFFC00, v7  }
0x68: {  	v6 =	vor.u32 @!p0 v6, v7  }
0x69: {  	v6 =	vadd.s32 @!p0 v5, v6;
	_ =	sdelay $0x3  }
0x6a: {  	s31 =	sadd.s32 $0x1A, s13  }
0x6b: {  	[tilespmem:v6+s9+$0x0] =	vst.idx.msk @!p0 $0x3ff, v0;
	v6 =	vadd.s32 s31, v1;
	_ =	sdelay $0x4  }
0x6c: {  	v6 =	vld.idx.msk [tilespmem:v6+s2+$0x0], $0xffff;
	_ =	sdelay $0x4  }
0x6d: {  	v7 =	vshll.u32 v6, $0x3  }
0x6e: {  	v6 =	vand.u32 $0x7F, v6;
	v7 =	vand.u32 $0xFFFFFC00, v7  }
0x6f: {  	v6 =	vor.u32 v6, v7  }
0x70: {  	v6 =	vadd.s32 v2, v6  }
0x71: {  	v7 =	vadd.s32 s31, v4;
	_ =	sdelay $0x3  }
0x72: {  	[tilespmem:v6+s9+$0x0] =	vst.idx.msk $0xffff, v3  }
0x73: {  	v6 =	vld.idx.msk [tilespmem:v7+s2+$0x0], $0x3ff;
	_ =	sdelay $0x4  }
0x74: {  	v7 =	vshll.u32 v6, $0x3  }
0x75: {  	v6 =	vand.u32 $0x7F, v6;
	v7 =	vand.u32 $0xFFFFFC00, v7  }
0x76: {  	v6 =	vor.u32 v6, v7  }
0x77: {  	v6 =	vadd.s32 v5, v6  }
0x78: {  	s13 =	sadd.s32 $0x34, s13  }
0x79: {  	p0 =	sne.s32 s13, $0xD00  }
.Ltmp1:
0x7a: {  	_ = 	snop;
	(pc) =	sbr.rel @p0 .LBB2_4-.Ltmp1, $4  }
0x7b: {  	_ = 	snop  }
0x7c: {  	[tilespmem:v6+s9+$0x0] =	vst.idx.msk $0x3ff, v3  }
0x7d: {  	[hbm4b:s14+s2] =	stream.linear.scatter [tilespmem:s9], [sflag:$0x2], $0x8000, $0x38;
	[tilespmem:$0x10D00] =	vst v63  }
0x7e: {  	s15 =	sadd.s32 $0x2000, s15;
	s14 =	sadd.s32 $0x2000, s14  }
0x7f: {  	s12 =	sadd.s32 $0x1, s12  }
0x80: {  	_ =	swait.ge [sflag:s10], $0x8000;
	p0 =	sne.s32 s12, s4  }
.Ltmp2:
0x81: {  	[sflag:s10] =	ssyncset.done $0x0;
	(pc) =	sbr.rel @p0 .LBB2_1-.Ltmp2, $4  }
0x82: {  	[sflag:s10] =	ssyncadd.s32 $0xFFFF8000  }
0x83: {  	_ =	swait.ge [sflag:s11], $0x8000  }
0x84: {  	[sflag:s11] =	ssyncset.done $0x0  }
0x85: {  	[sflag:s11] =	ssyncadd.s32 $0xFFFF8000  }
0x86: {  	_ =	sfence.sel $0x180000  }
0x87: {  	[bflag:$0x0] =	sbarrier.arrive $0xFFFF  }
0x88: {  	p0 =	sne.s32 s1, $0x0;
	_ =	strace $0x90000047  }
0x89: {  	s0 =	sadd.s32 @!p0 $0x100000, s0;
	[bflag:$0x2] =	sbarrier.arrive $0xFFFF  }
0x8a: {  	[sflag:s0] =	ssyncadd.tile.s32 @!p0 $0x1;
	_ =	shalt  }
.Lfunc_end2:
_tile_overlayer_lowered:
.L_overlay_start_2:
0x8b: {  	(tag) =	ssettag $0x2  }
0x8c: {  	s0 =	rddreg [dreg:$0x0];
	s2 =	stileid.u32  }
0x8d: {  	s1 =	rddreg [dreg:$0x1];
	p0 =	sne.s32 s2, $0x0  }
0x8e: {  	s3 =	rddreg [dreg:$0x2];
	[bflag:$0x3] =	sbarrier.arrive $0xFFFF;
	s2 =	simm.s32 @!p0 $0x1C03  }
0x8f: {  	[timem:s3], [sflag:s2] =	dma.local @!p0 [hbm:s0], s1  }
0x90: {  	s0 =	simm.s32 @!p0 $0x3  }
0x91: {  	_ =	swait.ge @!p0 [sflag:s0], s1  }
0x92: {  	s1 =	ssub.s32 @!p0 $0x0, s1;
	[sflag:s0] =	ssyncset.done @!p0 $0x0  }
0x93: {  	[sflag:s0] =	ssyncadd.s32 @!p0 s1  }
0x94: {  	[bflag:$0x3] =	sbarrier.arrive $0xFFFF  }
0x95: {  	_ =	shalt  }

</sc_bundles>
